<compile_context>
chip_gen: v7x
topology: tpu7x:2x2x1
jax: 0.10.2.dev20260603
libtpu: 0.0.44.dev20260713+nightly
codegen_flags: <defaults>
</compile_context>

<pallas_src>
import jax
import jax.numpy as jnp
from jax import lax
from jax.experimental import pallas as pl
from jax.experimental.pallas import tpu as pltpu
from jax.experimental.pallas import tpu_sc as plsc

NC = 2
NS = 16
L = 16
NW = NC * NS
B = 16384
D = 32
BPW = B // NW
CH = 128
NCH = BPW // CH
NBOUND = 1000


def _sc_body(user_hbm, ts_hbm, utab_hbm, ttab_hbm, bounds_hbm, mean_hbm,
             scale_hbm, uout_hbm, tout_hbm, nout_hbm,
             idx_v, rows_v, tidx_v, trows_v, ts_v, bounds_v, mean_v, scale_v,
             norm_v, sem_u, sem_t):
  wid = lax.axis_index("s") * NC + lax.axis_index("c")
  base = wid * BPW

  pltpu.sync_copy(user_hbm.at[pl.ds(base, BPW)], idx_v)
  ucopies = [
      pltpu.async_copy(utab_hbm.at[idx_v.at[pl.ds(j * CH, CH)]],
                       rows_v.at[pl.ds(j * CH, CH)], sem_u)
      for j in range(NCH)
  ]

  pltpu.sync_copy(ts_hbm.at[pl.ds(base, BPW)], ts_v)
  pltpu.sync_copy(bounds_hbm, bounds_v)
  pltpu.sync_copy(mean_hbm, mean_v)
  pltpu.sync_copy(scale_hbm, scale_v)
  mean = mean_v[...]
  scale = scale_v[...]

  @pl.loop(0, BPW // L)
  def _(i):
    t = ts_v[pl.ds(i * L, L)]
    def step(_, carry):
      lo, hi = carry
      mid = (lo + hi) >> 1
      bmid = plsc.load_gather(bounds_v, [jnp.minimum(mid, NBOUND - 1)])
      pred = (bmid <= t) & (mid < NBOUND)
      return jnp.where(pred, mid + 1, lo), jnp.where(pred, hi, mid)

    lo, hi = lax.fori_loop(0, 10, step,
                           (jnp.zeros((L,), jnp.int32),
                            jnp.full((L,), NBOUND, jnp.int32)))
    tidx_v[pl.ds(i * L, L)] = lo
    norm_v[pl.ds(i * L, L)] = (t - mean) * scale

  tcopies = [
      pltpu.async_copy(ttab_hbm.at[tidx_v.at[pl.ds(j * CH, CH)]],
                       trows_v.at[pl.ds(j * CH, CH)], sem_t)
      for j in range(NCH)
  ]

  for c in ucopies:
    c.wait()
  pltpu.sync_copy(rows_v, uout_hbm.at[pl.ds(base, BPW)])
  for c in tcopies:
    c.wait()
  pltpu.sync_copy(trows_v, tout_hbm.at[pl.ds(base, BPW)])
  pltpu.sync_copy(norm_v, nout_hbm.at[pl.ds(base, BPW)])


@jax.jit
def _run(user_i, ts_r, user_table, ts_table, bounds_p, mean16, scale16):
  mesh = plsc.VectorSubcoreMesh(core_axis_name="c", subcore_axis_name="s")
  cp = pltpu.CompilerParams(needs_layout_passes=False,
                            use_tc_tiling_on_sc=False)
  f = pl.kernel(
      _sc_body,
      compiler_params=cp,
      out_type=[
          jax.ShapeDtypeStruct((B, D), jnp.float32),
          jax.ShapeDtypeStruct((B, D), jnp.float32),
          jax.ShapeDtypeStruct((B,), jnp.float32),
      ],
      mesh=mesh,
      scratch_types=[
          pltpu.VMEM((BPW,), jnp.int32),
          pltpu.VMEM((BPW, D), jnp.float32),
          pltpu.VMEM((BPW,), jnp.int32),
          pltpu.VMEM((BPW, D), jnp.float32),
          pltpu.VMEM((BPW,), jnp.float32),
          pltpu.VMEM((NBOUND,), jnp.float32),
          pltpu.VMEM((L,), jnp.float32),
          pltpu.VMEM((L,), jnp.float32),
          pltpu.VMEM((BPW,), jnp.float32),
          pltpu.SemaphoreType.DMA,
          pltpu.SemaphoreType.DMA,
      ],
  )
  return f(user_i, ts_r, user_table, ts_table, bounds_p, mean16, scale16)


def kernel(user, timestamp, user_table, ts_table, boundaries, ts_mean, ts_var):
  user_i = user.astype(jnp.int32)
  ts_r = timestamp
  bounds_p = boundaries.astype(jnp.float32)
  scale = lax.rsqrt(ts_var.astype(jnp.float32) + 1e-6)
  mean16 = jnp.full((L,), ts_mean, jnp.float32)
  scale16 = jnp.full((L,), scale, jnp.float32)
  u_emb, t_emb, norm = _run(user_i, ts_r, user_table, ts_table, bounds_p,
                            mean16, scale16)
  return jnp.concatenate([u_emb, t_emb, norm.reshape(-1, 1)], axis=1)

# --- scband reference (transcript-rebuilt; emitter-appended) ---
"""Pipeline reference for scband-user-model-80814104642115 (READ-ONLY COPY).

The authoritative reference and input builder live on the scoring server;
editing this copy changes nothing except your own understanding.
"""

import jax, jax.numpy as jnp
import numpy as np

NUM_USERS = 1000000
EMBED = 32
NUM_BUCKETS = 1000
BATCH = 16384
TS_MIN = 8.0e8
TS_MAX = 1.3e9


def setup_inputs(seed: int = 0) -> dict:
    key = jax.random.key(seed)
    k1, k2, k3, k4 = jax.random.split(key, 4)
    # StringLookup output: 0 is OOV/mask slot, 1..NUM_USERS are vocab ids -> table has NUM_USERS+1 rows
    user = jax.random.randint(k1, (BATCH,), 0, NUM_USERS + 1)
    # realistic unix timestamps
    timestamp = jax.random.uniform(k2, (BATCH,), minval=TS_MIN, maxval=TS_MAX, dtype=jnp.float32)
    user_table = jax.random.normal(k3, (NUM_USERS + 1, EMBED), dtype=jnp.float32) * 0.05
    ts_table = jax.random.normal(k4, (NUM_BUCKETS + 1, EMBED), dtype=jnp.float32) * 0.05
    # Discretization bucket boundaries (as produced by quantile bucketing of timestamps)
    boundaries = jnp.linspace(TS_MIN, TS_MAX, NUM_BUCKETS).astype(jnp.float32)
    # Normalization layer adapted statistics
    ts_mean = jnp.mean(timestamp)
    ts_var = jnp.var(timestamp)
    return {
        "user": user,
        "timestamp": timestamp,
        "user_table": user_table,
        "ts_table": ts_table,
        "boundaries": boundaries,
        "ts_mean": ts_mean,
        "ts_var": ts_var,
    }


def reference(user, timestamp, user_table, ts_table, boundaries, ts_mean, ts_var):
    # user_embedding: StringLookup (precomputed into int ids) -> Embedding gather
    u_emb = jnp.take(user_table, user, axis=0)  # [B, 32]
    # timestamp_embedding: Discretization (bucketize) -> Embedding gather
    bucket_ids = jnp.digitize(timestamp, boundaries)  # [B] in [0, NUM_BUCKETS]
    t_emb = jnp.take(ts_table, bucket_ids, axis=0)  # [B, 32]
    # normalized_timestamp: (x - mean) / sqrt(var)
    norm_ts = (timestamp - ts_mean) / jnp.sqrt(ts_var + 1e-6)
    out = jnp.concatenate([u_emb, t_emb, norm_ts.reshape(-1, 1)], axis=1)  # [B, 65]
    return out

if __name__ == "__main__":
    import jax
    _d = setup_inputs()
    print(jax.jit(kernel)(*tuple(_d.values())))

</pallas_src>

<mosaic_0001>
#map = affine_map<(d0, d1) -> (0)>
#map1 = affine_map<(d0, d1) -> (0, 0)>
module attributes {stable_mosaic.version = 14 : i64} {
  func.func @_sc_body(%arg0: i32, %arg1: i32, %arg2: memref<16384xi32, #tpu.memory_space<hbm>>, %arg3: memref<16384xf32, #tpu.memory_space<hbm>>, %arg4: memref<1000001x32xf32, #tpu.memory_space<hbm>>, %arg5: memref<1001x32xf32, #tpu.memory_space<hbm>>, %arg6: memref<1000xf32, #tpu.memory_space<hbm>>, %arg7: memref<16xf32, #tpu.memory_space<hbm>>, %arg8: memref<16xf32, #tpu.memory_space<hbm>>, %arg9: memref<16384x32xf32, #tpu.memory_space<hbm>>, %arg10: memref<16384x32xf32, #tpu.memory_space<hbm>>, %arg11: memref<16384xf32, #tpu.memory_space<hbm>>, %arg12: memref<512xi32, #tpu.memory_space<vmem>>, %arg13: memref<512x32xf32, #tpu.memory_space<vmem>>, %arg14: memref<512xi32, #tpu.memory_space<vmem>>, %arg15: memref<512x32xf32, #tpu.memory_space<vmem>>, %arg16: memref<512xf32, #tpu.memory_space<vmem>>, %arg17: memref<1000xf32, #tpu.memory_space<vmem>>, %arg18: memref<16xf32, #tpu.memory_space<vmem>>, %arg19: memref<16xf32, #tpu.memory_space<vmem>>, %arg20: memref<512xf32, #tpu.memory_space<vmem>>, %arg21: memref<!tpu.dma_semaphore, #tpu.memory_space<semaphore_mem>>, %arg22: memref<!tpu.dma_semaphore, #tpu.memory_space<semaphore_mem>>) attributes {dimension_semantics = [#tpu.dimension_semantics<core_parallel>, #tpu.dimension_semantics<subcore_parallel>], iteration_bounds = array<i64: 2, 16>, scalar_prefetch = 0 : i64, scratch_operands = 11 : i64, tpu.core_type = #tpu.core_type<sc_vector_subcore>, window_params = [{transform_indices = #map}, {transform_indices = #map}, {transform_indices = #map1}, {transform_indices = #map1}, {transform_indices = #map}, {transform_indices = #map}, {transform_indices = #map}, {transform_indices = #map1}, {transform_indices = #map1}, {transform_indices = #map}]} {
    %mul3A = arith.constant 2 : i32
    %mul3A_0 = arith.muli %arg1, %mul3A : i32
    %add3A = arith.addi %mul3A_0, %arg0 : i32
    %mul3A_1 = arith.constant 512 : i32
    %mul3A_2 = arith.muli %add3A, %mul3A_1 : i32
    "tpu.region"() ({
      %run_scoped3A = tpu.sem_alloc : memref<!tpu.dma_semaphore, #tpu.memory_space<semaphore_mem>>
      %dma_start3A_136 = tpu.memref_slice %arg2[%mul3A_2] : memref<16384xi32, #tpu.memory_space<hbm>> -> memref<512xi32, #tpu.memory_space<hbm>>
      %dma_start3A_137 = tpu.memref_slice %arg2[%mul3A_2] : memref<16384xi32, #tpu.memory_space<hbm>> -> memref<512xi32, #tpu.memory_space<hbm>>
      tpu.enqueue_dma source(%dma_start3A_137 : memref<512xi32, #tpu.memory_space<hbm>>) target(%arg12 : memref<512xi32, #tpu.memory_space<vmem>>) target_semaphore(%run_scoped3A : memref<!tpu.dma_semaphore, #tpu.memory_space<semaphore_mem>>)
      %dma_wait3A_138 = tpu.memref_slice %arg2[%mul3A_2] : memref<16384xi32, #tpu.memory_space<hbm>> -> memref<512xi32, #tpu.memory_space<hbm>>
      %dma_wait3A_139 = tpu.memref_slice %arg2[%mul3A_2] : memref<16384xi32, #tpu.memory_space<hbm>> -> memref<512xi32, #tpu.memory_space<hbm>>
      tpu.wait_dma2 semaphore(%run_scoped3A : memref<!tpu.dma_semaphore, #tpu.memory_space<semaphore_mem>>) src(%dma_wait3A_139 : memref<512xi32, #tpu.memory_space<hbm>>) dst(%arg12 : memref<512xi32, #tpu.memory_space<vmem>>)
      tpu.yield
    }) : () -> ()
    %dma_start3A = arith.constant 0 : i32
    %dma_start3A_3 = arith.constant 0 : i32
    %dma_start3A_4 = tpu.memref_slice %arg13[%dma_start3A, %dma_start3A_3] : memref<512x32xf32, #tpu.memory_space<vmem>> -> memref<128x32xf32, #tpu.memory_space<vmem>>
    %dma_start3A_5 = arith.constant 0 : i32
    %dma_start3A_6 = tpu.memref_slice %arg12[%dma_start3A_5] : memref<512xi32, #tpu.memory_space<vmem>> -> memref<128xi32, #tpu.memory_space<vmem>>
    %dma_start3A_7 = arith.constant 0 : i32
    %dma_start3A_8 = arith.constant 0 : i32
    %dma_start3A_9 = tpu.memref_slice %arg4[%dma_start3A_7, %dma_start3A_8] : memref<1000001x32xf32, #tpu.memory_space<hbm>> -> memref<1000001x32xf32, #tpu.memory_space<hbm>>
    tpu.enqueue_indirect_dma source(%dma_start3A_9 : memref<1000001x32xf32, #tpu.memory_space<hbm>>) target(%dma_start3A_4 : memref<128x32xf32, #tpu.memory_space<vmem>>) offsets(%dma_start3A_6 : memref<128xi32, #tpu.memory_space<vmem>>) semaphore(%arg21 : memref<!tpu.dma_semaphore, #tpu.memory_space<semaphore_mem>>)
    %dma_start3A_10 = arith.constant 128 : i32
    %dma_start3A_11 = arith.constant 0 : i32
    %dma_start3A_12 = tpu.memref_slice %arg13[%dma_start3A_10, %dma_start3A_11] : memref<512x32xf32, #tpu.memory_space<vmem>> -> memref<128x32xf32, #tpu.memory_space<vmem>>
    %dma_start3A_13 = arith.constant 128 : i32
    %dma_start3A_14 = tpu.memref_slice %arg12[%dma_start3A_13] : memref<512xi32, #tpu.memory_space<vmem>> -> memref<128xi32, #tpu.memory_space<vmem>>
    %dma_start3A_15 = arith.constant 0 : i32
    %dma_start3A_16 = arith.constant 0 : i32
    %dma_start3A_17 = tpu.memref_slice %arg4[%dma_start3A_15, %dma_start3A_16] : memref<1000001x32xf32, #tpu.memory_space<hbm>> -> memref<1000001x32xf32, #tpu.memory_space<hbm>>
    tpu.enqueue_indirect_dma source(%dma_start3A_17 : memref<1000001x32xf32, #tpu.memory_space<hbm>>) target(%dma_start3A_12 : memref<128x32xf32, #tpu.memory_space<vmem>>) offsets(%dma_start3A_14 : memref<128xi32, #tpu.memory_space<vmem>>) semaphore(%arg21 : memref<!tpu.dma_semaphore, #tpu.memory_space<semaphore_mem>>)
    %dma_start3A_18 = arith.constant 256 : i32
    %dma_start3A_19 = arith.constant 0 : i32
    %dma_start3A_20 = tpu.memref_slice %arg13[%dma_start3A_18, %dma_start3A_19] : memref<512x32xf32, #tpu.memory_space<vmem>> -> memref<128x32xf32, #tpu.memory_space<vmem>>
    %dma_start3A_21 = arith.constant 256 : i32
    %dma_start3A_22 = tpu.memref_slice %arg12[%dma_start3A_21] : memref<512xi32, #tpu.memory_space<vmem>> -> memref<128xi32, #tpu.memory_space<vmem>>
    %dma_start3A_23 = arith.constant 0 : i32
    %dma_start3A_24 = arith.constant 0 : i32
    %dma_start3A_25 = tpu.memref_slice %arg4[%dma_start3A_23, %dma_start3A_24] : memref<1000001x32xf32, #tpu.memory_space<hbm>> -> memref<1000001x32xf32, #tpu.memory_space<hbm>>
    tpu.enqueue_indirect_dma source(%dma_start3A_25 : memref<1000001x32xf32, #tpu.memory_space<hbm>>) target(%dma_start3A_20 : memref<128x32xf32, #tpu.memory_space<vmem>>) offsets(%dma_start3A_22 : memref<128xi32, #tpu.memory_space<vmem>>) semaphore(%arg21 : memref<!tpu.dma_semaphore, #tpu.memory_space<semaphore_mem>>)
    %dma_start3A_26 = arith.constant 384 : i32
    %dma_start3A_27 = arith.constant 0 : i32
    %dma_start3A_28 = tpu.memref_slice %arg13[%dma_start3A_26, %dma_start3A_27] : memref<512x32xf32, #tpu.memory_space<vmem>> -> memref<128x32xf32, #tpu.memory_space<vmem>>
    %dma_start3A_29 = arith.constant 384 : i32
    %dma_start3A_30 = tpu.memref_slice %arg12[%dma_start3A_29] : memref<512xi32, #tpu.memory_space<vmem>> -> memref<128xi32, #tpu.memory_space<vmem>>
    %dma_start3A_31 = arith.constant 0 : i32
    %dma_start3A_32 = arith.constant 0 : i32
    %dma_start3A_33 = tpu.memref_slice %arg4[%dma_start3A_31, %dma_start3A_32] : memref<1000001x32xf32, #tpu.memory_space<hbm>> -> memref<1000001x32xf32, #tpu.memory_space<hbm>>
    tpu.enqueue_indirect_dma source(%dma_start3A_33 : memref<1000001x32xf32, #tpu.memory_space<hbm>>) target(%dma_start3A_28 : memref<128x32xf32, #tpu.memory_space<vmem>>) offsets(%dma_start3A_30 : memref<128xi32, #tpu.memory_space<vmem>>) semaphore(%arg21 : memref<!tpu.dma_semaphore, #tpu.memory_space<semaphore_mem>>)
    "tpu.region"() ({
      %run_scoped3A = tpu.sem_alloc : memref<!tpu.dma_semaphore, #tpu.memory_space<semaphore_mem>>
      %dma_start3A_136 = tpu.memref_slice %arg3[%mul3A_2] : memref<16384xf32, #tpu.memory_space<hbm>> -> memref<512xf32, #tpu.memory_space<hbm>>
      %dma_start3A_137 = tpu.memref_slice %arg3[%mul3A_2] : memref<16384xf32, #tpu.memory_space<hbm>> -> memref<512xf32, #tpu.memory_space<hbm>>
      tpu.enqueue_dma source(%dma_start3A_137 : memref<512xf32, #tpu.memory_space<hbm>>) target(%arg16 : memref<512xf32, #tpu.memory_space<vmem>>) target_semaphore(%run_scoped3A : memref<!tpu.dma_semaphore, #tpu.memory_space<semaphore_mem>>)
      %dma_wait3A_138 = tpu.memref_slice %arg3[%mul3A_2] : memref<16384xf32, #tpu.memory_space<hbm>> -> memref<512xf32, #tpu.memory_space<hbm>>
      %dma_wait3A_139 = tpu.memref_slice %arg3[%mul3A_2] : memref<16384xf32, #tpu.memory_space<hbm>> -> memref<512xf32, #tpu.memory_space<hbm>>
      tpu.wait_dma2 semaphore(%run_scoped3A : memref<!tpu.dma_semaphore, #tpu.memory_space<semaphore_mem>>) src(%dma_wait3A_139 : memref<512xf32, #tpu.memory_space<hbm>>) dst(%arg16 : memref<512xf32, #tpu.memory_space<vmem>>)
      tpu.yield
    }) : () -> ()
    "tpu.region"() ({
      %run_scoped3A = tpu.sem_alloc : memref<!tpu.dma_semaphore, #tpu.memory_space<semaphore_mem>>
      tpu.enqueue_dma source(%arg6 : memref<1000xf32, #tpu.memory_space<hbm>>) target(%arg17 : memref<1000xf32, #tpu.memory_space<vmem>>) target_semaphore(%run_scoped3A : memref<!tpu.dma_semaphore, #tpu.memory_space<semaphore_mem>>)
      tpu.wait_dma2 semaphore(%run_scoped3A : memref<!tpu.dma_semaphore, #tpu.memory_space<semaphore_mem>>) src(%arg6 : memref<1000xf32, #tpu.memory_space<hbm>>) dst(%arg17 : memref<1000xf32, #tpu.memory_space<vmem>>)
      tpu.yield
    }) : () -> ()
    "tpu.region"() ({
      %run_scoped3A = tpu.sem_alloc : memref<!tpu.dma_semaphore, #tpu.memory_space<semaphore_mem>>
      tpu.enqueue_dma source(%arg7 : memref<16xf32, #tpu.memory_space<hbm>>) target(%arg18 : memref<16xf32, #tpu.memory_space<vmem>>) target_semaphore(%run_scoped3A : memref<!tpu.dma_semaphore, #tpu.memory_space<semaphore_mem>>)
      tpu.wait_dma2 semaphore(%run_scoped3A : memref<!tpu.dma_semaphore, #tpu.memory_space<semaphore_mem>>) src(%arg7 : memref<16xf32, #tpu.memory_space<hbm>>) dst(%arg18 : memref<16xf32, #tpu.memory_space<vmem>>)
      tpu.yield
    }) : () -> ()
    "tpu.region"() ({
      %run_scoped3A = tpu.sem_alloc : memref<!tpu.dma_semaphore, #tpu.memory_space<semaphore_mem>>
      tpu.enqueue_dma source(%arg8 : memref<16xf32, #tpu.memory_space<hbm>>) target(%arg19 : memref<16xf32, #tpu.memory_space<vmem>>) target_semaphore(%run_scoped3A : memref<!tpu.dma_semaphore, #tpu.memory_space<semaphore_mem>>)
      tpu.wait_dma2 semaphore(%run_scoped3A : memref<!tpu.dma_semaphore, #tpu.memory_space<semaphore_mem>>) src(%arg8 : memref<16xf32, #tpu.memory_space<hbm>>) dst(%arg19 : memref<16xf32, #tpu.memory_space<vmem>>)
      tpu.yield
    }) : () -> ()
    %get3A = arith.constant 0 : index
    %get3A_34 = tpu.vector_load %arg18[%get3A] {strides = array<i32>} : memref<16xf32, #tpu.memory_space<vmem>>, vector<16xf32>,
    %get3A_35 = arith.constant 0 : index
    %get3A_36 = tpu.vector_load %arg19[%get3A_35] {strides = array<i32>} : memref<16xf32, #tpu.memory_space<vmem>>, vector<16xf32>,
    %scan3A = arith.constant 0 : i32
    %scan3A_37 = arith.constant 32 : i32
    %scan3A_38 = arith.addi %scan3A, %scan3A_37 : i32
    %scan3A_39 = arith.constant 1 : i32
    scf.for %scan3A_136 = %scan3A to %scan3A_38 step %scan3A_39  : i32 {
      %mul3A_137 = arith.constant 1 : i32
      %mul3A_138 = arith.muli %scan3A_136, %mul3A_137 : i32
      %add3A_139 = arith.constant 0 : i32
      %add3A_140 = arith.addi %add3A_139, %mul3A_138 : i32
      %mul3A_141 = arith.constant 16 : i32
      %mul3A_142 = arith.muli %add3A_140, %mul3A_141 : i32
      %get3A_143 = arith.index_cast %mul3A_142 : i32 to index
      %get3A_144 = tpu.vector_load %arg16[%get3A_143] {strides = array<i32>} : memref<512xf32, #tpu.memory_space<vmem>>, vector<16xf32>,
      %broadcast_in_dim3A = arith.constant 0 : i32
      %broadcast_in_dim3A_145 = vector.broadcast %broadcast_in_dim3A : i32 to vector<16xi32>
      %broadcast_in_dim3A_146 = arith.constant 1000 : i32
      %broadcast_in_dim3A_147 = vector.broadcast %broadcast_in_dim3A_146 : i32 to vector<16xi32>
      %scan3A_148 = arith.constant 0 : i32
      %scan3A_149 = arith.constant 10 : i32
      %scan3A_150 = arith.addi %scan3A_148, %scan3A_149 : i32
      %scan3A_151 = arith.constant 1 : i32
      %scan3A_152:2 = scf.for %scan3A_162 = %scan3A_148 to %scan3A_150 step %scan3A_151 iter_args(%scan3A_163 = %broadcast_in_dim3A_145, %scan3A_164 = %broadcast_in_dim3A_147) -> (vector<16xi32>, vector<16xi32>)  : i32 {
        %add3A_165 = arith.addi %scan3A_163, %scan3A_164 : vector<16xi32>
        %shift_right_arithmetic3A = arith.constant 1 : i32
        %shift_right_arithmetic3A_166 = vector.broadcast %shift_right_arithmetic3A : i32 to vector<16xi32>
        %shift_right_arithmetic3A_167 = arith.shrsi %add3A_165, %shift_right_arithmetic3A_166 : vector<16xi32>
        %min3A = arith.constant 999 : i32
        %min3A_168 = vector.broadcast %min3A : i32 to vector<16xi32>
        %min3A_169 = arith.minsi %shift_right_arithmetic3A_167, %min3A_168 : vector<16xi32>
        %gather3A = tpu.vector_load_idx %arg17[%min3A_169] : memref<1000xf32, #tpu.memory_space<vmem>>[vector<16xi32>], vector<16xf32>,
        %le3A = arith.cmpf ole, %gather3A, %get3A_144 : vector<16xf32>
        %lt3A = arith.constant 1000 : i32
        %lt3A_170 = vector.broadcast %lt3A : i32 to vector<16xi32>
        %lt3A_171 = arith.cmpi slt, %shift_right_arithmetic3A_167, %lt3A_170 : vector<16xi32>
        %and3A = arith.andi %le3A, %lt3A_171 : vector<16xi1>
        %add3A_172 = arith.constant 1 : i32
        %add3A_173 = vector.broadcast %add3A_172 : i32 to vector<16xi32>
        %add3A_174 = arith.addi %shift_right_arithmetic3A_167, %add3A_173 : vector<16xi32>
        %select_n3A = arith.select %and3A, %add3A_174, %scan3A_163 : vector<16xi1>, vector<16xi32>
        %select_n3A_175 = arith.select %and3A, %scan3A_164, %shift_right_arithmetic3A_167 : vector<16xi1>, vector<16xi32>
        scf.yield %select_n3A, %select_n3A_175 : vector<16xi32>, vector<16xi32>
      }
      %scan3A_153 = arith.constant 10 : i32
      %mul3A_154 = arith.constant 16 : i32
      %mul3A_155 = arith.muli %add3A_140, %mul3A_154 : i32
      %swap3A = arith.index_cast %mul3A_155 : i32 to index
      %swap3A_156 = tpu.vector_load %arg14[%swap3A] {strides = array<i32>} : memref<512xi32, #tpu.memory_space<vmem>>, vector<16xi32>,
      tpu.vector_store %arg14[%swap3A], %scan3A_152#0 {strides = array<i32>} : memref<512xi32, #tpu.memory_space<vmem>>, vector<16xi32>,
      %sub3A = arith.subf %get3A_144, %get3A_34 : vector<16xf32>
      %mul3A_157 = arith.mulf %sub3A, %get3A_36 : vector<16xf32>
      %mul3A_158 = arith.constant 16 : i32
      %mul3A_159 = arith.muli %add3A_140, %mul3A_158 : i32
      %swap3A_160 = arith.index_cast %mul3A_159 : i32 to index
      %swap3A_161 = tpu.vector_load %arg20[%swap3A_160] {strides = array<i32>} : memref<512xf32, #tpu.memory_space<vmem>>, vector<16xf32>,
      tpu.vector_store %arg20[%swap3A_160], %mul3A_157 {strides = array<i32>} : memref<512xf32, #tpu.memory_space<vmem>>, vector<16xf32>,
    }
    %scan3A_40 = arith.constant 32 : i32
    %dma_start3A_41 = arith.constant 0 : i32
    %dma_start3A_42 = arith.constant 0 : i32
    %dma_start3A_43 = tpu.memref_slice %arg15[%dma_start3A_41, %dma_start3A_42] : memref<512x32xf32, #tpu.memory_space<vmem>> -> memref<128x32xf32, #tpu.memory_space<vmem>>
    %dma_start3A_44 = arith.constant 0 : i32
    %dma_start3A_45 = tpu.memref_slice %arg14[%dma_start3A_44] : memref<512xi32, #tpu.memory_space<vmem>> -> memref<128xi32, #tpu.memory_space<vmem>>
    %dma_start3A_46 = arith.constant 0 : i32
    %dma_start3A_47 = arith.constant 0 : i32
    %dma_start3A_48 = tpu.memref_slice %arg5[%dma_start3A_46, %dma_start3A_47] : memref<1001x32xf32, #tpu.memory_space<hbm>> -> memref<1001x32xf32, #tpu.memory_space<hbm>>
    tpu.enqueue_indirect_dma source(%dma_start3A_48 : memref<1001x32xf32, #tpu.memory_space<hbm>>) target(%dma_start3A_43 : memref<128x32xf32, #tpu.memory_space<vmem>>) offsets(%dma_start3A_45 : memref<128xi32, #tpu.memory_space<vmem>>) semaphore(%arg22 : memref<!tpu.dma_semaphore, #tpu.memory_space<semaphore_mem>>)
    %dma_start3A_49 = arith.constant 128 : i32
    %dma_start3A_50 = arith.constant 0 : i32
    %dma_start3A_51 = tpu.memref_slice %arg15[%dma_start3A_49, %dma_start3A_50] : memref<512x32xf32, #tpu.memory_space<vmem>> -> memref<128x32xf32, #tpu.memory_space<vmem>>
    %dma_start3A_52 = arith.constant 128 : i32
    %dma_start3A_53 = tpu.memref_slice %arg14[%dma_start3A_52] : memref<512xi32, #tpu.memory_space<vmem>> -> memref<128xi32, #tpu.memory_space<vmem>>
    %dma_start3A_54 = arith.constant 0 : i32
    %dma_start3A_55 = arith.constant 0 : i32
    %dma_start3A_56 = tpu.memref_slice %arg5[%dma_start3A_54, %dma_start3A_55] : memref<1001x32xf32, #tpu.memory_space<hbm>> -> memref<1001x32xf32, #tpu.memory_space<hbm>>
    tpu.enqueue_indirect_dma source(%dma_start3A_56 : memref<1001x32xf32, #tpu.memory_space<hbm>>) target(%dma_start3A_51 : memref<128x32xf32, #tpu.memory_space<vmem>>) offsets(%dma_start3A_53 : memref<128xi32, #tpu.memory_space<vmem>>) semaphore(%arg22 : memref<!tpu.dma_semaphore, #tpu.memory_space<semaphore_mem>>)
    %dma_start3A_57 = arith.constant 256 : i32
    %dma_start3A_58 = arith.constant 0 : i32
    %dma_start3A_59 = tpu.memref_slice %arg15[%dma_start3A_57, %dma_start3A_58] : memref<512x32xf32, #tpu.memory_space<vmem>> -> memref<128x32xf32, #tpu.memory_space<vmem>>
    %dma_start3A_60 = arith.constant 256 : i32
    %dma_start3A_61 = tpu.memref_slice %arg14[%dma_start3A_60] : memref<512xi32, #tpu.memory_space<vmem>> -> memref<128xi32, #tpu.memory_space<vmem>>
    %dma_start3A_62 = arith.constant 0 : i32
    %dma_start3A_63 = arith.constant 0 : i32
    %dma_start3A_64 = tpu.memref_slice %arg5[%dma_start3A_62, %dma_start3A_63] : memref<1001x32xf32, #tpu.memory_space<hbm>> -> memref<1001x32xf32, #tpu.memory_space<hbm>>
    tpu.enqueue_indirect_dma source(%dma_start3A_64 : memref<1001x32xf32, #tpu.memory_space<hbm>>) target(%dma_start3A_59 : memref<128x32xf32, #tpu.memory_space<vmem>>) offsets(%dma_start3A_61 : memref<128xi32, #tpu.memory_space<vmem>>) semaphore(%arg22 : memref<!tpu.dma_semaphore, #tpu.memory_space<semaphore_mem>>)
    %dma_start3A_65 = arith.constant 384 : i32
    %dma_start3A_66 = arith.constant 0 : i32
    %dma_start3A_67 = tpu.memref_slice %arg15[%dma_start3A_65, %dma_start3A_66] : memref<512x32xf32, #tpu.memory_space<vmem>> -> memref<128x32xf32, #tpu.memory_space<vmem>>
    %dma_start3A_68 = arith.constant 384 : i32
    %dma_start3A_69 = tpu.memref_slice %arg14[%dma_start3A_68] : memref<512xi32, #tpu.memory_space<vmem>> -> memref<128xi32, #tpu.memory_space<vmem>>
    %dma_start3A_70 = arith.constant 0 : i32
    %dma_start3A_71 = arith.constant 0 : i32
    %dma_start3A_72 = tpu.memref_slice %arg5[%dma_start3A_70, %dma_start3A_71] : memref<1001x32xf32, #tpu.memory_space<hbm>> -> memref<1001x32xf32, #tpu.memory_space<hbm>>
    tpu.enqueue_indirect_dma source(%dma_start3A_72 : memref<1001x32xf32, #tpu.memory_space<hbm>>) target(%dma_start3A_67 : memref<128x32xf32, #tpu.memory_space<vmem>>) offsets(%dma_start3A_69 : memref<128xi32, #tpu.memory_space<vmem>>) semaphore(%arg22 : memref<!tpu.dma_semaphore, #tpu.memory_space<semaphore_mem>>)
    %dma_wait3A = arith.constant 0 : i32
    %dma_wait3A_73 = arith.constant 0 : i32
    %dma_wait3A_74 = tpu.memref_slice %arg13[%dma_wait3A, %dma_wait3A_73] : memref<512x32xf32, #tpu.memory_space<vmem>> -> memref<128x32xf32, #tpu.memory_space<vmem>>
    %dma_wait3A_75 = arith.constant 0 : i32
    %dma_wait3A_76 = tpu.memref_slice %arg12[%dma_wait3A_75] : memref<512xi32, #tpu.memory_space<vmem>> -> memref<128xi32, #tpu.memory_space<vmem>>
    %dma_wait3A_77 = arith.constant 0 : i32
    %dma_wait3A_78 = arith.constant 0 : i32
    %dma_wait3A_79 = tpu.memref_slice %arg4[%dma_wait3A_77, %dma_wait3A_78] : memref<1000001x32xf32, #tpu.memory_space<hbm>> -> memref<1000001x32xf32, #tpu.memory_space<hbm>>
    tpu.wait_indirect_dma semaphore(%arg21 : memref<!tpu.dma_semaphore, #tpu.memory_space<semaphore_mem>>) src(%dma_wait3A_79 : memref<1000001x32xf32, #tpu.memory_space<hbm>>) dst(%dma_wait3A_74 : memref<128x32xf32, #tpu.memory_space<vmem>>)
    %dma_wait3A_80 = arith.constant 128 : i32
    %dma_wait3A_81 = arith.constant 0 : i32
    %dma_wait3A_82 = tpu.memref_slice %arg13[%dma_wait3A_80, %dma_wait3A_81] : memref<512x32xf32, #tpu.memory_space<vmem>> -> memref<128x32xf32, #tpu.memory_space<vmem>>
    %dma_wait3A_83 = arith.constant 128 : i32
    %dma_wait3A_84 = tpu.memref_slice %arg12[%dma_wait3A_83] : memref<512xi32, #tpu.memory_space<vmem>> -> memref<128xi32, #tpu.memory_space<vmem>>
    %dma_wait3A_85 = arith.constant 0 : i32
    %dma_wait3A_86 = arith.constant 0 : i32
    %dma_wait3A_87 = tpu.memref_slice %arg4[%dma_wait3A_85, %dma_wait3A_86] : memref<1000001x32xf32, #tpu.memory_space<hbm>> -> memref<1000001x32xf32, #tpu.memory_space<hbm>>
    tpu.wait_indirect_dma semaphore(%arg21 : memref<!tpu.dma_semaphore, #tpu.memory_space<semaphore_mem>>) src(%dma_wait3A_87 : memref<1000001x32xf32, #tpu.memory_space<hbm>>) dst(%dma_wait3A_82 : memref<128x32xf32, #tpu.memory_space<vmem>>)
    %dma_wait3A_88 = arith.constant 256 : i32
    %dma_wait3A_89 = arith.constant 0 : i32
    %dma_wait3A_90 = tpu.memref_slice %arg13[%dma_wait3A_88, %dma_wait3A_89] : memref<512x32xf32, #tpu.memory_space<vmem>> -> memref<128x32xf32, #tpu.memory_space<vmem>>
    %dma_wait3A_91 = arith.constant 256 : i32
    %dma_wait3A_92 = tpu.memref_slice %arg12[%dma_wait3A_91] : memref<512xi32, #tpu.memory_space<vmem>> -> memref<128xi32, #tpu.memory_space<vmem>>
    %dma_wait3A_93 = arith.constant 0 : i32
    %dma_wait3A_94 = arith.constant 0 : i32
    %dma_wait3A_95 = tpu.memref_slice %arg4[%dma_wait3A_93, %dma_wait3A_94] : memref<1000001x32xf32, #tpu.memory_space<hbm>> -> memref<1000001x32xf32, #tpu.memory_space<hbm>>
    tpu.wait_indirect_dma semaphore(%arg21 : memref<!tpu.dma_semaphore, #tpu.memory_space<semaphore_mem>>) src(%dma_wait3A_95 : memref<1000001x32xf32, #tpu.memory_space<hbm>>) dst(%dma_wait3A_90 : memref<128x32xf32, #tpu.memory_space<vmem>>)
    %dma_wait3A_96 = arith.constant 384 : i32
    %dma_wait3A_97 = arith.constant 0 : i32
    %dma_wait3A_98 = tpu.memref_slice %arg13[%dma_wait3A_96, %dma_wait3A_97] : memref<512x32xf32, #tpu.memory_space<vmem>> -> memref<128x32xf32, #tpu.memory_space<vmem>>
    %dma_wait3A_99 = arith.constant 384 : i32
    %dma_wait3A_100 = tpu.memref_slice %arg12[%dma_wait3A_99] : memref<512xi32, #tpu.memory_space<vmem>> -> memref<128xi32, #tpu.memory_space<vmem>>
    %dma_wait3A_101 = arith.constant 0 : i32
    %dma_wait3A_102 = arith.constant 0 : i32
    %dma_wait3A_103 = tpu.memref_slice %arg4[%dma_wait3A_101, %dma_wait3A_102] : memref<1000001x32xf32, #tpu.memory_space<hbm>> -> memref<1000001x32xf32, #tpu.memory_space<hbm>>
    tpu.wait_indirect_dma semaphore(%arg21 : memref<!tpu.dma_semaphore, #tpu.memory_space<semaphore_mem>>) src(%dma_wait3A_103 : memref<1000001x32xf32, #tpu.memory_space<hbm>>) dst(%dma_wait3A_98 : memref<128x32xf32, #tpu.memory_space<vmem>>)
    "tpu.region"() ({
      %run_scoped3A = tpu.sem_alloc : memref<!tpu.dma_semaphore, #tpu.memory_space<semaphore_mem>>
      %dma_start3A_136 = arith.constant 0 : i32
      %dma_start3A_137 = tpu.memref_slice %arg9[%mul3A_2, %dma_start3A_136] : memref<16384x32xf32, #tpu.memory_space<hbm>> -> memref<512x32xf32, #tpu.memory_space<hbm>>
      %dma_start3A_138 = arith.constant 0 : i32
      %dma_start3A_139 = tpu.memref_slice %arg9[%mul3A_2, %dma_start3A_138] : memref<16384x32xf32, #tpu.memory_space<hbm>> -> memref<512x32xf32, #tpu.memory_space<hbm>>
      tpu.enqueue_dma source(%arg13 : memref<512x32xf32, #tpu.memory_space<vmem>>) target(%dma_start3A_139 : memref<512x32xf32, #tpu.memory_space<hbm>>) target_semaphore(%run_scoped3A : memref<!tpu.dma_semaphore, #tpu.memory_space<semaphore_mem>>)
      %dma_wait3A_140 = arith.constant 0 : i32
      %dma_wait3A_141 = tpu.memref_slice %arg9[%mul3A_2, %dma_wait3A_140] : memref<16384x32xf32, #tpu.memory_space<hbm>> -> memref<512x32xf32, #tpu.memory_space<hbm>>
      %dma_wait3A_142 = arith.constant 0 : i32
      %dma_wait3A_143 = tpu.memref_slice %arg9[%mul3A_2, %dma_wait3A_142] : memref<16384x32xf32, #tpu.memory_space<hbm>> -> memref<512x32xf32, #tpu.memory_space<hbm>>
      tpu.wait_dma2 semaphore(%run_scoped3A : memref<!tpu.dma_semaphore, #tpu.memory_space<semaphore_mem>>) src(%arg13 : memref<512x32xf32, #tpu.memory_space<vmem>>) dst(%dma_wait3A_143 : memref<512x32xf32, #tpu.memory_space<hbm>>)
      tpu.yield
    }) : () -> ()
    %dma_wait3A_104 = arith.constant 0 : i32
    %dma_wait3A_105 = arith.constant 0 : i32
    %dma_wait3A_106 = tpu.memref_slice %arg15[%dma_wait3A_104, %dma_wait3A_105] : memref<512x32xf32, #tpu.memory_space<vmem>> -> memref<128x32xf32, #tpu.memory_space<vmem>>
    %dma_wait3A_107 = arith.constant 0 : i32
    %dma_wait3A_108 = tpu.memref_slice %arg14[%dma_wait3A_107] : memref<512xi32, #tpu.memory_space<vmem>> -> memref<128xi32, #tpu.memory_space<vmem>>
    %dma_wait3A_109 = arith.constant 0 : i32
    %dma_wait3A_110 = arith.constant 0 : i32
    %dma_wait3A_111 = tpu.memref_slice %arg5[%dma_wait3A_109, %dma_wait3A_110] : memref<1001x32xf32, #tpu.memory_space<hbm>> -> memref<1001x32xf32, #tpu.memory_space<hbm>>
    tpu.wait_indirect_dma semaphore(%arg22 : memref<!tpu.dma_semaphore, #tpu.memory_space<semaphore_mem>>) src(%dma_wait3A_111 : memref<1001x32xf32, #tpu.memory_space<hbm>>) dst(%dma_wait3A_106 : memref<128x32xf32, #tpu.memory_space<vmem>>)
    %dma_wait3A_112 = arith.constant 128 : i32
    %dma_wait3A_113 = arith.constant 0 : i32
    %dma_wait3A_114 = tpu.memref_slice %arg15[%dma_wait3A_112, %dma_wait3A_113] : memref<512x32xf32, #tpu.memory_space<vmem>> -> memref<128x32xf32, #tpu.memory_space<vmem>>
    %dma_wait3A_115 = arith.constant 128 : i32
    %dma_wait3A_116 = tpu.memref_slice %arg14[%dma_wait3A_115] : memref<512xi32, #tpu.memory_space<vmem>> -> memref<128xi32, #tpu.memory_space<vmem>>
    %dma_wait3A_117 = arith.constant 0 : i32
    %dma_wait3A_118 = arith.constant 0 : i32
    %dma_wait3A_119 = tpu.memref_slice %arg5[%dma_wait3A_117, %dma_wait3A_118] : memref<1001x32xf32, #tpu.memory_space<hbm>> -> memref<1001x32xf32, #tpu.memory_space<hbm>>
    tpu.wait_indirect_dma semaphore(%arg22 : memref<!tpu.dma_semaphore, #tpu.memory_space<semaphore_mem>>) src(%dma_wait3A_119 : memref<1001x32xf32, #tpu.memory_space<hbm>>) dst(%dma_wait3A_114 : memref<128x32xf32, #tpu.memory_space<vmem>>)
    %dma_wait3A_120 = arith.constant 256 : i32
    %dma_wait3A_121 = arith.constant 0 : i32
    %dma_wait3A_122 = tpu.memref_slice %arg15[%dma_wait3A_120, %dma_wait3A_121] : memref<512x32xf32, #tpu.memory_space<vmem>> -> memref<128x32xf32, #tpu.memory_space<vmem>>
    %dma_wait3A_123 = arith.constant 256 : i32
    %dma_wait3A_124 = tpu.memref_slice %arg14[%dma_wait3A_123] : memref<512xi32, #tpu.memory_space<vmem>> -> memref<128xi32, #tpu.memory_space<vmem>>
    %dma_wait3A_125 = arith.constant 0 : i32
    %dma_wait3A_126 = arith.constant 0 : i32
    %dma_wait3A_127 = tpu.memref_slice %arg5[%dma_wait3A_125, %dma_wait3A_126] : memref<1001x32xf32, #tpu.memory_space<hbm>> -> memref<1001x32xf32, #tpu.memory_space<hbm>>
    tpu.wait_indirect_dma semaphore(%arg22 : memref<!tpu.dma_semaphore, #tpu.memory_space<semaphore_mem>>) src(%dma_wait3A_127 : memref<1001x32xf32, #tpu.memory_space<hbm>>) dst(%dma_wait3A_122 : memref<128x32xf32, #tpu.memory_space<vmem>>)
    %dma_wait3A_128 = arith.constant 384 : i32
    %dma_wait3A_129 = arith.constant 0 : i32
    %dma_wait3A_130 = tpu.memref_slice %arg15[%dma_wait3A_128, %dma_wait3A_129] : memref<512x32xf32, #tpu.memory_space<vmem>> -> memref<128x32xf32, #tpu.memory_space<vmem>>
    %dma_wait3A_131 = arith.constant 384 : i32
    %dma_wait3A_132 = tpu.memref_slice %arg14[%dma_wait3A_131] : memref<512xi32, #tpu.memory_space<vmem>> -> memref<128xi32, #tpu.memory_space<vmem>>
    %dma_wait3A_133 = arith.constant 0 : i32
    %dma_wait3A_134 = arith.constant 0 : i32
    %dma_wait3A_135 = tpu.memref_slice %arg5[%dma_wait3A_133, %dma_wait3A_134] : memref<1001x32xf32, #tpu.memory_space<hbm>> -> memref<1001x32xf32, #tpu.memory_space<hbm>>
    tpu.wait_indirect_dma semaphore(%arg22 : memref<!tpu.dma_semaphore, #tpu.memory_space<semaphore_mem>>) src(%dma_wait3A_135 : memref<1001x32xf32, #tpu.memory_space<hbm>>) dst(%dma_wait3A_130 : memref<128x32xf32, #tpu.memory_space<vmem>>)
    "tpu.region"() ({
      %run_scoped3A = tpu.sem_alloc : memref<!tpu.dma_semaphore, #tpu.memory_space<semaphore_mem>>
      %dma_start3A_136 = arith.constant 0 : i32
      %dma_start3A_137 = tpu.memref_slice %arg10[%mul3A_2, %dma_start3A_136] : memref<16384x32xf32, #tpu.memory_space<hbm>> -> memref<512x32xf32, #tpu.memory_space<hbm>>
      %dma_start3A_138 = arith.constant 0 : i32
      %dma_start3A_139 = tpu.memref_slice %arg10[%mul3A_2, %dma_start3A_138] : memref<16384x32xf32, #tpu.memory_space<hbm>> -> memref<512x32xf32, #tpu.memory_space<hbm>>
      tpu.enqueue_dma source(%arg15 : memref<512x32xf32, #tpu.memory_space<vmem>>) target(%dma_start3A_139 : memref<512x32xf32, #tpu.memory_space<hbm>>) target_semaphore(%run_scoped3A : memref<!tpu.dma_semaphore, #tpu.memory_space<semaphore_mem>>)
      %dma_wait3A_140 = arith.constant 0 : i32
      %dma_wait3A_141 = tpu.memref_slice %arg10[%mul3A_2, %dma_wait3A_140] : memref<16384x32xf32, #tpu.memory_space<hbm>> -> memref<512x32xf32, #tpu.memory_space<hbm>>
      %dma_wait3A_142 = arith.constant 0 : i32
      %dma_wait3A_143 = tpu.memref_slice %arg10[%mul3A_2, %dma_wait3A_142] : memref<16384x32xf32, #tpu.memory_space<hbm>> -> memref<512x32xf32, #tpu.memory_space<hbm>>
      tpu.wait_dma2 semaphore(%run_scoped3A : memref<!tpu.dma_semaphore, #tpu.memory_space<semaphore_mem>>) src(%arg15 : memref<512x32xf32, #tpu.memory_space<vmem>>) dst(%dma_wait3A_143 : memref<512x32xf32, #tpu.memory_space<hbm>>)
      tpu.yield
    }) : () -> ()
    "tpu.region"() ({
      %run_scoped3A = tpu.sem_alloc : memref<!tpu.dma_semaphore, #tpu.memory_space<semaphore_mem>>
      %dma_start3A_136 = tpu.memref_slice %arg11[%mul3A_2] : memref<16384xf32, #tpu.memory_space<hbm>> -> memref<512xf32, #tpu.memory_space<hbm>>
      %dma_start3A_137 = tpu.memref_slice %arg11[%mul3A_2] : memref<16384xf32, #tpu.memory_space<hbm>> -> memref<512xf32, #tpu.memory_space<hbm>>
      tpu.enqueue_dma source(%arg20 : memref<512xf32, #tpu.memory_space<vmem>>) target(%dma_start3A_137 : memref<512xf32, #tpu.memory_space<hbm>>) target_semaphore(%run_scoped3A : memref<!tpu.dma_semaphore, #tpu.memory_space<semaphore_mem>>)
      %dma_wait3A_138 = tpu.memref_slice %arg11[%mul3A_2] : memref<16384xf32, #tpu.memory_space<hbm>> -> memref<512xf32, #tpu.memory_space<hbm>>
      %dma_wait3A_139 = tpu.memref_slice %arg11[%mul3A_2] : memref<16384xf32, #tpu.memory_space<hbm>> -> memref<512xf32, #tpu.memory_space<hbm>>
      tpu.wait_dma2 semaphore(%run_scoped3A : memref<!tpu.dma_semaphore, #tpu.memory_space<semaphore_mem>>) src(%arg20 : memref<512xf32, #tpu.memory_space<vmem>>) dst(%dma_wait3A_139 : memref<512xf32, #tpu.memory_space<hbm>>)
      tpu.yield
    }) : () -> ()
    return
  }
}

</mosaic_0001>

<sc_bundles>
// kernel: _run.3.cloned.1.call-start
scs
__scs_entry_jumppad:
0x0: {  	(pc) =	sbr.rel $0x88, $3  }
0x1: {  	(tag) =	ssettag $0x0;
	lr =	simm.s32 $0x1  }
0x2: {  	[smem:$0x3F9A] =	sst lr;
	_ =	strace $0xD0000000  }
0x3: {  	_ = 	snop  }
0x4: {  	_ = 	snop  }
0x5: {  	_ = 	snop  }
0x6: {  	_ = 	snop  }
0x7: {  	_ = 	snop  }
__scs_overlays_trampoline_lowered:
0x8: {  	[smem:$0x3FA9] =	sst s0  }
0x9: {  	[smem:$0x3FAA] =	sst s1  }
0xa: {  	[smem:$0x3FAB] =	sst s2  }
0xb: {  	[smem:$0x3FAC] =	sst s3  }
0xc: {  	[smem:$0x3FAD] =	sst s4  }
0xd: {  	[smem:$0x3FAE] =	sst s5  }
0xe: {  	[smem:$0x3FAF] =	sst s6  }
0xf: {  	[smem:$0x3FB0] =	sst s7  }
0x10: {  	[smem:$0x3FB1] =	sst s8  }
0x11: {  	[smem:$0x3FB2] =	sst s9;
	s0 =	simm.s32 @!p0 $0x0  }
0x12: {  	s1 =	sld [smem:$0x3F98];
	s0 =	simm.s32 @p0 $0x1  }
0x13: {  	[smem:$0x3FB3] =	sst s0;
	s0 =	simm.s32 @!p1 $0x0  }
0x14: {  	s2 =	sld [smem:$0x3F97];
	s0 =	simm.s32 @p1 $0x1  }
0x15: {  	[smem:$0x3FB4] =	sst s0;
	s0 =	simm.s32 @!p2 $0x0  }
0x16: {  	s3 =	sld [smem:$0x3FDB];
	s0 =	simm.s32 @p2 $0x1  }
0x17: {  	s4 =	simm.s32 $0x1BF5;
	[smem:$0x3FB6] =	sst s0  }
0x18: {  	s0 =	sld [smem:$0x3F99];
	_ =	swait.ge [sflag:s4], $0x0  }
0x19: {  	s7 =	sld [smem:$0x3F9A]  }
0x1a: {  	s8 =	sadd.s32 $0xFFFFE003, lr  }
0x1b: {  	s9 =	sadd.s32 $0xFFFFFEF7, lr;
	s5 =	simm.s32 $0xFFFFFFFF;
	p2 =	slt.u32 s8, $0xFFFFF086  }
0x1c: {  	p1 =	slt.u32 s9, $0xF7A;
	s5 =	simm.s32 @!p2 $0x0  }
0x1d: {  	s5 =	simm.s32 @p1 $0x1;
	p0 =	seq.s32 s7, s2  }
0x1e: {  	s7 =	smul.u32 @!p0 $0xF7A, s2;
	p2 =	seq.s32 @!p0 s5, $0x0  }
0x1f: {  	s9 =	smul.u32 $0xF7A, s1;
	s8 =	simm.s32 @!p0 $0x1BF5;
	p2 =	por !p2, p0  }
0x20: {  	[sflag:s8] =	ssyncset.s32 @!p0 $0xFFFFF086;
	s6 =	sadd.s32 @!p0 s3, s7;
	s7 =	simm.s32 @!p0 $0x108  }
0x21: {  	s3 =	sadd.s32 s3, s9;
	s6 =	sadd.s32 @!p0 $0x88, s6;
	s7 =	simm.s32 @p2 $0x1082  }
0x22: {  	[simem:s7], [sflag:s8] =	dma.local @!p0 [hbm:s6], $0xF7A  }
0x23: {  	s9 =	sor.u32 $0xD0000000, s2;
	s6 =	simm.s32 $0x108;
	_ =	swait.ge @!p0 [sflag:s8], $0x0  }
0x24: {  	s3 =	sadd.s32 $0x88, s3;
	s6 =	simm.s32 @!p1 $0x1082;
	[sflag:s4] =	ssyncset.s32 $0xFFFFF086  }
0x25: {  	[simem:s6], [sflag:s4] =	dma.local [hbm:s3], $0xF7A  }
0x26: {  	[smem:$0x3F9A] =	sst s1;
	(tag) =	ssettag s2;
	_ =	strace s9  }
0x27: {  	s1 =	sld [smem:$0x3FAA]  }
0x28: {  	s2 =	sld [smem:$0x3FAB]  }
0x29: {  	s4 =	sld [smem:$0x3FAD]  }
0x2a: {  	p0 =	seq.s32 s5, $0x0;
	s5 =	sld [smem:$0x3FAE]  }
0x2b: {  	s6 =	sld [smem:$0x3FAF]  }
0x2c: {  	s7 =	sld [smem:$0x3FB0]  }
0x2d: {  	s3 =	simm.s32 $0x108;
	s8 =	sld [smem:$0x3FB1]  }
0x2e: {  	s3 =	simm.s32 @!p0 $0x1082;
	s9 =	sld [smem:$0x3FB2]  }
0x2f: {  	lr =	sadd.s32 s0, s3;
	s0 =	sld [smem:$0x3FA9]  }
0x30: {  	s3 =	sld [smem:$0x3FAC]  }
0x31: {  	[smem:$0x3FB5] =	sst s10  }
0x32: {  	s10 =	sld [smem:$0x3FB3];
	_ =	sdelay $0x3  }
0x33: {  	p0 =	seq.s32 s10, $0x1;
	s10 =	sld [smem:$0x3FB5];
	_ =	sdelay $0x3  }
0x34: {  	[smem:$0x3FB5] =	sst s10  }
0x35: {  	s10 =	sld [smem:$0x3FB4];
	_ =	sdelay $0x3  }
0x36: {  	p1 =	seq.s32 s10, $0x1;
	s10 =	sld [smem:$0x3FB5];
	_ =	sdelay $0x3  }
0x37: {  	[smem:$0x3FB5] =	sst s10  }
0x38: {  	s10 =	sld [smem:$0x3FB6]  }
0x39: {  	_ = 	snop;
	(pc) =	sbr.ind lr, $3  }
0x3a: {  	_ = 	snop  }
0x3b: {  	_ = 	snop  }
0x3c: {  	p2 =	seq.s32 s10, $0x1;
	s10 =	sld [smem:$0x3FB5]  }
0x3d: {  	_ =	shalt  }
0x3e: {  	_ =	shalt  }
0x3f: {  	_ =	shalt  }
0x40: {  	_ =	shalt  }
0x41: {  	_ =	shalt  }
0x42: {  	_ =	shalt  }
0x43: {  	_ =	shalt  }
0x44: {  	_ =	shalt  }
0x45: {  	_ =	shalt  }
0x46: {  	_ =	shalt  }
0x47: {  	_ =	shalt  }
0x48: {  	_ =	shalt  }
0x49: {  	_ =	shalt  }
0x4a: {  	_ =	shalt  }
0x4b: {  	_ =	shalt  }
0x4c: {  	_ =	shalt  }
0x4d: {  	_ =	shalt  }
0x4e: {  	_ =	shalt  }
0x4f: {  	_ =	shalt  }
0x50: {  	_ =	shalt  }
0x51: {  	_ =	shalt  }
0x52: {  	_ =	shalt  }
0x53: {  	_ =	shalt  }
0x54: {  	_ =	shalt  }
0x55: {  	_ =	shalt  }
0x56: {  	_ =	shalt  }
0x57: {  	_ =	shalt  }
0x58: {  	_ =	shalt  }
0x59: {  	_ =	shalt  }
0x5a: {  	_ =	shalt  }
0x5b: {  	_ =	shalt  }
0x5c: {  	_ =	shalt  }
0x5d: {  	_ =	shalt  }
0x5e: {  	_ =	shalt  }
0x5f: {  	_ =	shalt  }
0x60: {  	_ =	shalt  }
0x61: {  	_ =	shalt  }
0x62: {  	_ =	shalt  }
0x63: {  	_ =	shalt  }
0x64: {  	_ =	shalt  }
0x65: {  	_ =	shalt  }
0x66: {  	_ =	shalt  }
0x67: {  	_ =	shalt  }
0x68: {  	_ =	shalt  }
0x69: {  	_ =	shalt  }
0x6a: {  	_ =	shalt  }
0x6b: {  	_ =	shalt  }
0x6c: {  	_ =	shalt  }
0x6d: {  	_ =	shalt  }
0x6e: {  	_ =	shalt  }
0x6f: {  	_ =	shalt  }
0x70: {  	_ =	shalt  }
0x71: {  	_ =	shalt  }
0x72: {  	_ =	shalt  }
0x73: {  	_ =	shalt  }
0x74: {  	_ =	shalt  }
0x75: {  	_ =	shalt  }
0x76: {  	_ =	shalt  }
0x77: {  	_ =	shalt  }
0x78: {  	_ =	shalt  }
0x79: {  	_ =	shalt  }
0x7a: {  	_ =	shalt  }
0x7b: {  	_ =	shalt  }
0x7c: {  	_ =	shalt  }
0x7d: {  	_ =	shalt  }
0x7e: {  	_ =	shalt  }
0x7f: {  	_ =	shalt  }
0x80: {  	_ =	shalt  }
0x81: {  	_ =	shalt  }
0x82: {  	_ =	shalt  }
0x83: {  	_ =	shalt  }
0x84: {  	_ =	shalt  }
0x85: {  	_ =	shalt  }
0x86: {  	_ =	shalt  }
0x87: {  	_ =	shalt  }
.Lfunc_end0:
.L_simem_size_0:
called_computation_lowered:
.L_overlay_start_0:
0x88: {  	s2 =	sld [smem:$0x3FD9]  }
0x89: {  	s3 =	sld [smem:$0x3FFE];
	_ =	sdelay $0x1  }
0x8a: {  	s1 =	srdreg.scid  }
0x8b: {  	s0 =	sand.u32 $0x1, s1  }
0x8c: {  	s14 =	sshll.u32 s0, $0xA;
	s2 =	sadd.s32 s3, s2  }
0x8d: {  	s2 =	sadd.s32 s2, s14  }
0x8e: {  	[smem:$0x3FC1] =	sst s2  }
0x8f: {  	_ = 	snop  }
0x90: {  	s2 =	sld [smem:$0x3FC9]  }
0x91: {  	s15 =	sld [smem:$0x3FC8]  }
0x92: {  	s4 =	sld [smem:$0x3FD0]  }
0x93: {  	s5 =	sld [smem:$0x3FC5]  }
0x94: {  	s6 =	sld [smem:$0x3FC4]  }
0x95: {  	s8 =	simm.s32 $0xA;
	s9 =	simm.s32 $0x10;
	s7 =	sld [smem:$0x3FC3]  }
0x96: {  	[smem:s9], [sflag:s8] =	dma.local [hbm:s4], $0x1  }
0x97: {  	_ =	swait.eq [sflag:s8], $0x1  }
0x98: {  	s16 =	sld [smem:$0x10];
	[sflag:s8] =	ssyncset.done $0x0  }
0x99: {  	s17 =	sld [smem:$0x11];
	[sflag:s8] =	ssyncadd.s32 $0xFFFFFFFF  }
0x9a: {  	s18 =	sld [smem:$0x12];
	(tm) =	ssettm $0x1  }
0x9b: {  	s10 =	sld [smem:$0x3FFB];
	_ =	sdelay $0x3  }
0x9c: {  	_ =	strace s10  }
0x9d: {  	s10 =	sld [smem:$0x3FFC];
	_ =	sdelay $0x3  }
0x9e: {  	_ =	strace s10  }
0x9f: {  	s10 =	sld [smem:$0x3FFD];
	_ =	sdelay $0x3  }
0xa0: {  	_ =	strace s10  }
0xa1: {  	_ =	strace $0x8FFFFFFF  }
0xa2: {  	s19 =	sld [smem:$0x3FDB];
	_ =	sdelay $0x1  }
0xa3: {  	s11 =	simm.s32 $_scs_section_size  }
0xa4: {  	s12 =	simm.s32 $_size__tile_overlayer_lowered;
	s13 =	simm.s32 $_tile_overlayer_lowered  }
0xa5: {  	s22 =	simm.s32 $0x1BFF;
	s21 =	sshll.u32 s13, $0x1;
	s10 =	sadd.s32 s11, s19  }
0xa6: {  	s20 =	sshll.u32 s12, $0x1;
	s14 =	simm.s32 $0x0;
	s12 =	sadd.s32 s21, s10  }
0xa7: {  	[timem:s14], [sflag:s22] =	dma.local [hbm:s12], s20  }
0xa8: {  	_ =	swait.ge [sflag:s22], s20  }
0xa9: {  	s11 =	ssub.s32 $0x0, s20;
	[sflag:s22] =	ssyncset.done $0x0  }
0xaa: {  	[sflag:s22] =	ssyncadd.s32 s11;
	_ =	sdelay $0x1  }
0xab: {  	s23 =	simm.s32 $0x1B8B  }
0xac: {  	_ =	swait.ge [sflag:s23], $0x1  }
0xad: {  	[sflag:s23] =	ssyncset.done $0x0  }
0xae: {  	s25 =	simm.s32 $0x1B8E;
	s24 =	sld [smem:$0x3FFE];
	[sflag:s23] =	ssyncadd.s32 $0xFFFFFFFF  }
0xaf: {  	s26 =	simm.s32 $execute0_lowered;
	[smem:$0x3FD2] =	sst s25  }
0xb0: {  	s12 =	sshll.u32 s26, $0x1;
	_ =	strace $0x80000046;
	[dreg:$0x1] =	wrdreg $0xFFFFFFFF  }
0xb1: {  	s28 =	simm.s32 $_size_execute0_lowered;
	s10 =	sadd.s32 s10, s12;
	[dreg:$0x0] =	wrdreg $0x0  }
0xb2: {  	s12 =	sshll.u32 s28, $0x1;
	[dreg:$0x2] =	wrdreg s10  }
0xb3: {  	[dreg:$0x3] =	wrdreg s12  }
0xb4: {  	[dreg:$0x4] =	wrdreg $0xC0  }
0xb5: {  	_ =	task [dreg:s14], $0x5FFFF  }
0xb6: {  	[dreg:$0x1] =	wrdreg $0xFFFFFFFF  }
0xb7: {  	[dreg:$0x0] =	wrdreg $0x60  }
0xb8: {  	[dreg:$0x2] =	wrdreg s2  }
0xb9: {  	[dreg:$0x3] =	wrdreg s15  }
0xba: {  	[dreg:$0x4] =	wrdreg s24  }
0xbb: {  	[dreg:$0x5] =	wrdreg s16  }
0xbc: {  	[dreg:$0x6] =	wrdreg s5  }
0xbd: {  	[dreg:$0x7] =	wrdreg s6  }
0xbe: {  	[dreg:$0x8] =	wrdreg s7  }
0xbf: {  	[dreg:$0x9] =	wrdreg s17  }
0xc0: {  	[dreg:$0xa] =	wrdreg s18  }
0xc1: {  	[dreg:$0xb] =	wrdreg $0x9  }
0xc2: {  	_ =	task.clear_ibuf [dreg:s14], $0xCFFFF;
	_ =	strace $0x90000046  }
0xc3: {  	s29 =	simm.s32 $0x9;
	_ =	strace $0x80000048  }
0xc4: {  	_ =	swait.ge [sflag:s29], $0x1  }
0xc5: {  	[sflag:s29] =	ssyncadd.s32 $0xFFFFFFFF  }
0xc6: {  	_ =	strace $0x90000048  }
0xc7: {  	_ =	sfence  }
0xc8: {  	s30 =	sld [smem:$0x0];
	_ =	sdelay $0x2  }
0xc9: {  	s31 =	sshll.u32 s1, $0xD;
	s1 =	sshrl.u32 s1, $0x2  }
0xca: {  	s3 =	sand.u32 $0x4000, s31;
	s1 =	sadd.s32 s1, s30  }
0xcb: {  	s0 =	sor.u32 s3, s0;
	s1 =	sshll.u32 s1, $0x11  }
0xcc: {  	s0 =	sor.u32 s1, s0  }
0xcd: {  	s0 =	sadd.s32 $0x8F2B, s0  }
0xce: {  	[sflag:s0] =	ssyncadd.remote.s32 $0x1  }
0xcf: {  	_ =	sfence.sel $0xFFFF  }
0xd0: {  	[dreg:$0x0] =	wrdreg $0xFFFFFFFF;
	(pc) =	sbr.abs _section_cstart, $3  }
0xd1: {  	[dreg:$0x1] =	wrdreg $0xFFFFFFFF  }
0xd2: {  	_ =	task.clear_ibuf [dreg:s14], $0x2FFFF;
	_ =	strace $0x9FFFFFFF  }
0xd3: {  	(tm) =	ssettm $0x7FFFFFFF  }
tec
execute0_lowered:
.L_overlay_start_1:
0x0: {  	(tag) =	ssettag $0x1  }
0x1: {  	s0 =	rddreg [dreg:$0x0]  }
0x2: {  	s2 =	rddreg [dreg:$0x1]  }
0x3: {  	s3 =	rddreg [dreg:$0x2]  }
0x4: {  	s1 =	rddreg [dreg:$0x3]  }
0x5: {  	s4 =	rddreg [dreg:$0x7]  }
0x6: {  	s5 =	rddreg [dreg:$0x8]  }
0x7: {  	s7 =	srdreg.scid;
	s6 =	simm.s32 $0x0;
	s8 =	stileid.u32  }
0x8: {  	s14 =	simm.s32 $0x3;
	s15 =	simm.s32 $0x80;
	s16 =	simm.s32 $0x200  }
0x9: {  	s21 =	simm.s32 $0x3200;
	s22 =	simm.s32 $0x8400;
	s23 =	simm.s32 $0x8600  }
0xa: {  	s24 =	simm.s32 $0x89E8;
	s25 =	simm.s32 $0x89F8;
	s28 =	simm.s32 $0x4400  }
0xb: {  	s29 =	simm.s32 $0x4280;
	s30 =	simm.s32 $0x5400;
	s31 =	simm.s32 $0x4300  }
0xc: {  	s17 =	simm.s32 $0x8A08;
	s18 =	simm.s32 $0x0;
	s7 =	sand.u32 $0x1, s7  }
0xd: {  	[smem:$0x7FF] =	sst s6;
	s8 =	sshll.u32 s8, $0xA;
	s9 =	sshll.u32 s7, $0x9  }
0xe: {  	_ =	strace $0x80000047;
	s26 =	ssub.s32 $0x2, s7;
	s8 =	sor.u32 s9, s8  }
0xf: {  	s7 =	sadd.s32 $0xF43200, s3;
	s11 =	sshrl.u32 s26, $0x1;
	s10 =	sshll.u32 s8, $0x2  }
0x10: {  	v0 =	vimm.s32 $0x1F4;
	s13 =	ssub.s32 s26, s11;
	s12 =	sshrl.u32 s8, $0x3;
	s26 =	simm.s32 $0x4200  }
0x11: {  	s3 =	sadd.s32 s10, s3;
	s8 =	sadd.s32 s0, s12;
	s9 =	sadd.s32 s2, s12  }
0x12: {  	s10 =	sadd.s32 s4, s10;
	s12 =	sadd.s32 s5, s12;
	s13 =	smax.u32 s13, $0x1  }
0x13: {  	s0 =	simm.s32 $0x6400;
	s5 =	simm.s32 $0x4380;
	s2 =	simm.s32 $0x7400  }
0x14: {  	v1 =	vimm.s32 $0x0;
	v2 =	vimm.s32 $0xFA;
	s4 =	simm.s32 $0x2;
	s11 =	sadd.s32 $0xC00, s3;
	s3 =	simm.s32 $0x1  }
.LBB2_1:
0x15: {  	[tilespmem:s6], [sflag:$0x3] =	stream.linear.gather [hbm4b:s8+s6], $0x200, $0x38;
	[tilespmem:$0x8C08] =	vst v63  }
0x16: {  	_ =	swait.ge [sflag:s14], $0x200  }
0x17: {  	[sflag:s14] =	ssyncset.done $0x0  }
0x18: {  	[sflag:s14] =	ssyncadd.s32 $0xFFFFFE00  }
0x19: {  	[tilespmem:s16], [sflag:$0x1] =	stream.indirect.gather [hbm4b:s7+s15], $0x20, s6, s15, $0xb8;
	[tilespmem:$0x8C08] =	vst v63  }
0x1a: {  	s19 =	simm.s32 $0x1200  }
0x1b: {  	[tilespmem:s19], [sflag:$0x1] =	stream.indirect.gather [hbm4b:s7+s15], $0x20, s15, s15, $0xb8;
	[tilespmem:$0x8C08] =	vst v63  }
0x1c: {  	s20 =	simm.s32 $0x2200;
	s19 =	simm.s32 $0x100  }
0x1d: {  	[tilespmem:s20], [sflag:$0x1] =	stream.indirect.gather [hbm4b:s7+s15], $0x20, s19, s15, $0xb8;
	[tilespmem:$0x8C08] =	vst v63  }
0x1e: {  	s20 =	simm.s32 $0x180  }
0x1f: {  	[tilespmem:s21], [sflag:$0x1] =	stream.indirect.gather [hbm4b:s7+s15], $0x20, s20, s15, $0xb8;
	[tilespmem:$0x8C08] =	vst v63  }
0x20: {  	_ = 	snop  }
0x21: {  	[tilespmem:s22], [sflag:$0x3] =	stream.linear.gather [hbm4b:s9+s6], $0x200, $0x38;
	[tilespmem:$0x8C08] =	vst v63  }
0x22: {  	_ =	swait.ge [sflag:s14], $0x200  }
0x23: {  	[sflag:s14] =	ssyncset.done $0x0  }
0x24: {  	[sflag:s14] =	ssyncadd.s32 $0xFFFFFE00  }
0x25: {  	s20 =	rddreg [dreg:$0x4]  }
0x26: {  	[tilespmem:s23], [sflag:$0x3] =	stream.linear.gather [hbm4b:s20+s6], $0x3E8, $0x38;
	[tilespmem:$0x8C08] =	vst v63  }
0x27: {  	_ =	swait.ge [sflag:s14], $0x3E8  }
0x28: {  	[sflag:s14] =	ssyncset.done $0x0  }
0x29: {  	[sflag:s14] =	ssyncadd.s32 $0xFFFFFC18  }
0x2a: {  	s20 =	rddreg [dreg:$0x5]  }
0x2b: {  	[tilespmem:s24], [sflag:$0x3] =	stream.linear.gather [hbm4b:s20+s6], $0x10, $0x38;
	[tilespmem:$0x8C08] =	vst v63  }
0x2c: {  	_ =	swait.ge [sflag:s14], $0x10  }
0x2d: {  	[sflag:s14] =	ssyncset.done $0x0  }
0x2e: {  	[sflag:s14] =	ssyncadd.s32 $0xFFFFFFF0  }
0x2f: {  	s20 =	rddreg [dreg:$0x6]  }
0x30: {  	[tilespmem:s25], [sflag:$0x3] =	stream.linear.gather [hbm4b:s20+s6], $0x10, $0x38;
	[tilespmem:$0x8C08] =	vst v63  }
0x31: {  	_ =	swait.ge [sflag:s14], $0x10  }
0x32: {  	[sflag:s14] =	ssyncset.done $0x0  }
0x33: {  	[sflag:s14] =	ssyncadd.s32 $0xFFFFFFF0  }
0x34: {  	v3 =	vld [tilespmem:$0x89E8]  }
0x35: {  	s19 =	simm.s32 $0x0;
	v4 =	vld [tilespmem:$0x89F8]  }
.LBB2_2:
0x36: {  	s20 =	sshra.s32 s19, $0x2;
	v6 =	vld.idx.msk [tilespmem:v0+s23+$0x0], $0xffff  }
0x37: {  	v5 =	vld [tilespmem:s20+$0x8400];
	_ =	sdelay $0x4  }
0x38: {  	vm0 =	vle.f32 v6, v5  }
0x39: {  	v6 =	vsel vm0, $0x2EE, v2;
	_ =	sdelay $0x4  }
0x3a: {  	v7 =	vld.idx.msk [tilespmem:v6+s23+$0x0], $0xffff;
	_ =	sdelay $0x4  }
0x3b: {  	v8 =	vsel vm0, $0x3E8, v0;
	vm1 =	vle.f32 v7, v5  }
0x3c: {  	v9 =	vor.u32 $0x1, v6;
	v7 =	vsel vm0, $0x1F5, v1;
	v6 =	vsel vm1, v8, v6  }
0x3d: {  	v7 =	vsel vm1, v9, v7;
	v8 =	vadd.s32 $0xFFFFFFFF, v6  }
0x3e: {  	v8 =	vadd.s32 v8, v7  }
0x3f: {  	v8 =	vadd.s32 $0x1, v8  }
0x40: {  	v8 =	vshrl.u32 v8, $0x1;
	_ =	sdelay $0x4  }
0x41: {  	v49 =	vld.idx.msk [tilespmem:v8+s23+$0x0], $0xffff;
	_ =	sdelay $0x4  }
0x42: {  	v50 =	vadd.s32 $0x1, v8;
	vm7 =	vle.f32 v49, v5  }
0x43: {  	v7 =	vsel vm7, v50, v7;
	v6 =	vsel vm7, v6, v8  }
0x44: {  	v8 =	vxor.u32 v7, v6  }
0x45: {  	v9 =	vand.u32 v7, v6;
	v8 =	vshrl.u32 v8, $0x1  }
0x46: {  	v8 =	vadd.s32 v8, v9;
	_ =	sdelay $0x4  }
0x47: {  	v9 =	vld.idx.msk [tilespmem:v8+s23+$0x0], $0xffff;
	_ =	sdelay $0x4  }
0x48: {  	v51 =	vadd.s32 $0x1, v8;
	vm8 =	vle.f32 v9, v5  }
0x49: {  	v7 =	vsel vm8, v51, v7;
	v6 =	vsel vm8, v6, v8  }
0x4a: {  	v8 =	vadd.s32 v7, v6  }
0x4b: {  	v8 =	vshrl.u32 v8, $0x1;
	_ =	sdelay $0x4  }
0x4c: {  	v52 =	vld.idx.msk [tilespmem:v8+s23+$0x0], $0xffff;
	_ =	sdelay $0x4  }
0x4d: {  	v53 =	vadd.s32 $0x1, v8;
	vm9 =	vle.f32 v52, v5  }
0x4e: {  	v7 =	vsel vm9, v53, v7;
	v6 =	vsel vm9, v6, v8  }
0x4f: {  	v8 =	vadd.s32 v7, v6  }
0x50: {  	v8 =	vshrl.u32 v8, $0x1;
	_ =	sdelay $0x4  }
0x51: {  	v54 =	vld.idx.msk [tilespmem:v8+s23+$0x0], $0xffff;
	_ =	sdelay $0x4  }
0x52: {  	v55 =	vadd.s32 $0x1, v8;
	vm10 =	vle.f32 v54, v5  }
0x53: {  	v7 =	vsel vm10, v55, v7;
	v6 =	vsel vm10, v6, v8  }
0x54: {  	v8 =	vadd.s32 v7, v6  }
0x55: {  	v8 =	vshrl.u32 v8, $0x1;
	_ =	sdelay $0x4  }
0x56: {  	v56 =	vld.idx.msk [tilespmem:v8+s23+$0x0], $0xffff;
	_ =	sdelay $0x4  }
0x57: {  	v57 =	vadd.s32 $0x1, v8;
	vm11 =	vle.f32 v56, v5  }
0x58: {  	v7 =	vsel vm11, v57, v7;
	v6 =	vsel vm11, v6, v8  }
0x59: {  	v8 =	vadd.s32 v7, v6  }
0x5a: {  	v8 =	vshrl.u32 v8, $0x1;
	_ =	sdelay $0x4  }
0x5b: {  	v58 =	vld.idx.msk [tilespmem:v8+s23+$0x0], $0xffff;
	_ =	sdelay $0x4  }
0x5c: {  	v59 =	vadd.s32 $0x1, v8;
	vm12 =	vle.f32 v58, v5  }
0x5d: {  	v7 =	vsel vm12, v59, v7;
	v6 =	vsel vm12, v6, v8  }
0x5e: {  	v8 =	vadd.s32 v7, v6  }
0x5f: {  	v8 =	vshrl.u32 v8, $0x1;
	_ =	sdelay $0x4  }
0x60: {  	v60 =	vld.idx.msk [tilespmem:v8+s23+$0x0], $0xffff;
	_ =	sdelay $0x4  }
0x61: {  	v61 =	vadd.s32 $0x1, v8;
	vm13 =	vle.f32 v60, v5  }
0x62: {  	v7 =	vsel vm13, v61, v7;
	v6 =	vsel vm13, v6, v8  }
0x63: {  	v6 =	vadd.s32 v7, v6  }
0x64: {  	v62 =	vshrl.u32 v6, $0x1  }
0x65: {  	v63 =	vmin.u32 v62, $0x3E7;
	_ =	sdelay $0x4  }
0x66: {  	v9 =	vld.idx.msk [tilespmem:v63+s23+$0x0], $0xffff;
	_ =	sdelay $0x3  }
0x67: {  	p0 =	sne.s32 s19, $0x7C0  }
.Ltmp0:
0x68: {  	vm15 =	vlt.u32 v6, $0x7D0;
	vm14 =	vle.f32 v9, v5;
	v5 =	vsub.f32 v5, v3;
	(pc) =	sbr.rel @p0 .LBB2_2-.Ltmp0, $4  }
0x69: {  	v6 =	vadd.s32 $0x1, v62;
	vm0 =	vmand vm15, vm14  }
0x6a: {  	v6 =	vsel vm0, v6, v7;
	v5 =	vmul.f32 v5, v4  }
0x6b: {  	[tilespmem:s20+$0x4200] =	vst v6  }
0x6c: {  	s19 =	sadd.s32 $0x40, s19;
	[tilespmem:s20+$0x8A08] =	vst v5  }
0x6d: {  	[tilespmem:s28], [sflag:$0x2] =	stream.indirect.gather [hbm4b:s1+s15], $0x20, s26, s15, $0xb8;
	[tilespmem:$0x8C08] =	vst v63  }
0x6e: {  	_ = 	snop  }
0x6f: {  	[tilespmem:s30], [sflag:$0x2] =	stream.indirect.gather [hbm4b:s1+s15], $0x20, s29, s15, $0xb8;
	[tilespmem:$0x8C08] =	vst v63  }
0x70: {  	_ = 	snop  }
0x71: {  	[tilespmem:s0], [sflag:$0x2] =	stream.indirect.gather [hbm4b:s1+s15], $0x20, s31, s15, $0xb8;
	[tilespmem:$0x8C08] =	vst v63  }
0x72: {  	_ = 	snop  }
0x73: {  	[tilespmem:s2], [sflag:$0x2] =	stream.indirect.gather [hbm4b:s1+s15], $0x20, s5, s15, $0xb8;
	[tilespmem:$0x8C08] =	vst v63  }
0x74: {  	_ =	swait.ge [sflag:s3], $0x1000  }
0x75: {  	[sflag:s3] =	ssyncset.done $0x0  }
0x76: {  	[sflag:s3] =	ssyncadd.s32 $0xFFFFF000  }
0x77: {  	_ =	swait.ge [sflag:s3], $0x1000  }
0x78: {  	[sflag:s3] =	ssyncset.done $0x0  }
0x79: {  	[sflag:s3] =	ssyncadd.s32 $0xFFFFF000  }
0x7a: {  	_ =	swait.ge [sflag:s3], $0x1000  }
0x7b: {  	[sflag:s3] =	ssyncset.done $0x0  }
0x7c: {  	[sflag:s3] =	ssyncadd.s32 $0xFFFFF000  }
0x7d: {  	_ =	swait.ge [sflag:s3], $0x1000  }
0x7e: {  	[sflag:s3] =	ssyncset.done $0x0  }
0x7f: {  	[sflag:s3] =	ssyncadd.s32 $0xFFFFF000  }
0x80: {  	[hbm4b:s10+s6] =	stream.linear.scatter [tilespmem:s16], [sflag:$0x3], $0x4000, $0x38;
	[tilespmem:$0x8C08] =	vst v63  }
0x81: {  	_ =	swait.ge [sflag:s14], $0x4000  }
0x82: {  	[sflag:s14] =	ssyncset.done $0x0  }
0x83: {  	[sflag:s14] =	ssyncadd.s32 $0xFFFFC000  }
0x84: {  	_ =	swait.ge [sflag:s4], $0x1000  }
0x85: {  	[sflag:s4] =	ssyncset.done $0x0  }
0x86: {  	[sflag:s4] =	ssyncadd.s32 $0xFFFFF000  }
0x87: {  	_ =	swait.ge [sflag:s4], $0x1000  }
0x88: {  	[sflag:s4] =	ssyncset.done $0x0  }
0x89: {  	[sflag:s4] =	ssyncadd.s32 $0xFFFFF000  }
0x8a: {  	_ =	swait.ge [sflag:s4], $0x1000  }
0x8b: {  	[sflag:s4] =	ssyncset.done $0x0  }
0x8c: {  	[sflag:s4] =	ssyncadd.s32 $0xFFFFF000  }
0x8d: {  	_ =	swait.ge [sflag:s4], $0x1000  }
0x8e: {  	[sflag:s4] =	ssyncset.done $0x0  }
0x8f: {  	[sflag:s4] =	ssyncadd.s32 $0xFFFFF000  }
0x90: {  	[hbm4b:s11+s6] =	stream.linear.scatter [tilespmem:s28], [sflag:$0x3], $0x4000, $0x38;
	[tilespmem:$0x8C08] =	vst v63  }
0x91: {  	s18 =	sadd.s32 $0x1, s18;
	_ =	swait.ge [sflag:s14], $0x4000  }
0x92: {  	p0 =	sne.s32 s18, s13;
	[sflag:s14] =	ssyncset.done $0x0  }
.Ltmp1:
0x93: {  	[sflag:s14] =	ssyncadd.s32 $0xFFFFC000;
	(pc) =	sbr.rel @p0 .LBB2_1-.Ltmp1, $4  }
0x94: {  	[hbm4b:s12+s6] =	stream.linear.scatter [tilespmem:s17], [sflag:$0x3], $0x200, $0x38;
	[tilespmem:$0x8C08] =	vst v63  }
0x95: {  	_ =	swait.ge [sflag:s14], $0x200  }
0x96: {  	[sflag:s14] =	ssyncset.done $0x0  }
0x97: {  	[sflag:s14] =	ssyncadd.s32 $0xFFFFFE00  }
0x98: {  	_ =	sfence.sel $0x180000  }
0x99: {  	[bflag:$0x0] =	sbarrier.arrive $0xFFFF  }
0x9a: {  	_ =	strace $0x90000047  }
0x9b: {  	s0 =	stileid.u32;
	[bflag:$0x2] =	sbarrier.arrive $0xFFFF  }
0x9c: {  	p0 =	sne.s32 s0, $0x0;
	s0 =	rddreg [dreg:$0x9]  }
0x9d: {  	s0 =	sadd.s32 @!p0 $0x100000, s0  }
0x9e: {  	[sflag:s0] =	ssyncadd.tile.s32 @!p0 $0x1;
	_ =	shalt  }
.Lfunc_end2:
_tile_overlayer_lowered:
.L_overlay_start_2:
0x9f: {  	(tag) =	ssettag $0x2  }
0xa0: {  	s0 =	rddreg [dreg:$0x0];
	s2 =	stileid.u32  }
0xa1: {  	s1 =	rddreg [dreg:$0x1];
	p0 =	sne.s32 s2, $0x0  }
0xa2: {  	s3 =	rddreg [dreg:$0x2];
	[bflag:$0x3] =	sbarrier.arrive $0xFFFF;
	s2 =	simm.s32 @!p0 $0x1C03  }
0xa3: {  	[timem:s3], [sflag:s2] =	dma.local @!p0 [hbm:s0], s1  }
0xa4: {  	s0 =	simm.s32 @!p0 $0x3  }
0xa5: {  	_ =	swait.ge @!p0 [sflag:s0], s1  }
0xa6: {  	s1 =	ssub.s32 @!p0 $0x0, s1;
	[sflag:s0] =	ssyncset.done @!p0 $0x0  }
0xa7: {  	[sflag:s0] =	ssyncadd.s32 @!p0 s1  }
0xa8: {  	[bflag:$0x3] =	sbarrier.arrive $0xFFFF  }
0xa9: {  	_ =	shalt  }

</sc_bundles>
